<compile_context>
chip_gen: v7x
topology: tpu7x:2x2x1
jax: 0.10.2.dev20260603
libtpu: 0.0.44.dev20260713+nightly
codegen_flags: <defaults>
</compile_context>

<pallas_src>
import functools

import jax
import jax.numpy as jnp
from jax import lax
from jax.experimental import pallas as pl
from jax.experimental.pallas import tpu as pltpu
from jax.experimental.pallas import tpu_sc as plsc

_N_NODES = 10000
_N_EDGES = 320000
_H = 128
_NC = 2
_NS = 16
_NW = _NC * _NS
_L = 16
_EPW = _N_EDGES // _NW

_B = 2560
_NB = _N_EDGES // _B


def _sc_gather_types(x, i, j):
    mesh = plsc.VectorSubcoreMesh(
        core_axis_name="c", subcore_axis_name="s",
        num_cores=_NC, num_subcores=_NS)

    @functools.partial(
        pl.kernel,
        out_type=(jax.ShapeDtypeStruct((_N_EDGES,), jnp.int32),
                  jax.ShapeDtypeStruct((_N_EDGES,), jnp.int32)),
        mesh=mesh,
        scratch_types=[
            pltpu.VMEM((_N_NODES,), jnp.int32),
            pltpu.VMEM((_EPW,), jnp.int32),
            pltpu.VMEM((_EPW,), jnp.int32),
        ],
        compiler_params=pltpu.CompilerParams(needs_layout_passes=False),
    )
    def sc_kernel(x_hbm, i_hbm, j_hbm, xi_hbm, xj_hbm, x_v, idx_v, out_v):
        wid = lax.axis_index("s") * _NC + lax.axis_index("c")
        base = wid * _EPW
        pltpu.sync_copy(x_hbm, x_v)
        for src, dst in ((i_hbm, xi_hbm), (j_hbm, xj_hbm)):
            pltpu.sync_copy(src.at[pl.ds(base, _EPW)], idx_v)

            @plsc.parallel_loop(0, _EPW // _L, unroll=8)
            def body(k):
                sl = pl.ds(k * _L, _L)
                out_v[sl] = plsc.load_gather(x_v, [idx_v[sl]])

            pltpu.sync_copy(out_v, dst.at[pl.ds(base, _EPW)])

    return sc_kernel(x, i, j)


def _silu(v):
    t = v * 0.5
    return t * jnp.tanh(t) + t


def _tc_body(rbf_ref, xi_ref, xj_ref, emb_ref, wr_ref, br_ref, wl_ref,
             bl_ref, out_ref, t_ref):
    @pl.when(pl.program_id(0) == 0)
    def _():
        embp = jnp.concatenate(
            [emb_ref[...], jnp.zeros((_H - 100, _H), jnp.float32)], axis=0)
        t_ref[0:_H, :] = jnp.dot(embp, wl_ref[0:_H, :],
                                 preferred_element_type=jnp.float32)
        t_ref[_H:2 * _H, :] = jnp.dot(embp, wl_ref[_H:2 * _H, :],
                                      preferred_element_type=jnp.float32)

    r = _silu(jnp.dot(rbf_ref[...], wr_ref[...],
                      preferred_element_type=jnp.float32) + br_ref[...])
    cio = lax.broadcasted_iota(jnp.int32, (_H, _B), 0)
    ohi = jnp.where(xi_ref[...].reshape(1, _B) == cio, 1.0, 0.0)
    ohj = jnp.where(xj_ref[...].reshape(1, _B) == cio, 1.0, 0.0)
    dn = (((0,), (0,)), ((), ()))
    acc = lax.dot_general(ohi, t_ref[0:_H, :], dn,
                          preferred_element_type=jnp.float32)
    acc += lax.dot_general(ohj, t_ref[_H:2 * _H, :], dn,
                           preferred_element_type=jnp.float32)
    acc += jnp.dot(r, wl_ref[2 * _H:3 * _H, :],
                   preferred_element_type=jnp.float32)
    out_ref[...] = _silu(acc + bl_ref[...])


def _tc_fused(rbf, xi, xj, emb, wr, br, wl, bl):
    full = lambda shape: pl.BlockSpec(shape, lambda b: (0,) * len(shape))
    return pl.pallas_call(
        _tc_body,
        grid=(_NB,),
        in_specs=[
            pl.BlockSpec((_B, 6), lambda b: (b, 0)),
            pl.BlockSpec((1, _B // _H, _H), lambda b: (b, 0, 0)),
            pl.BlockSpec((1, _B // _H, _H), lambda b: (b, 0, 0)),
            full((100, _H)),
            full((6, _H)),
            full((1, _H)),
            full((3 * _H, _H)),
            full((1, _H)),
        ],
        out_specs=pl.BlockSpec((_B, _H), lambda b: (b, 0)),
        out_shape=jax.ShapeDtypeStruct((_N_EDGES, _H), jnp.float32),
        scratch_shapes=[pltpu.VMEM((2 * _H, _H), jnp.float32)],
        compiler_params=pltpu.CompilerParams(
            dimension_semantics=("arbitrary",)),
    )(rbf, xi, xj, emb, wr, br, wl, bl)


def kernel(x, rbf, i, j, emb, W_rbf, b_rbf, W_lin, b_lin):
    xi, xj = _sc_gather_types(x, i, j)
    xi2 = xi.reshape(_NB, _B // _H, _H)
    xj2 = xj.reshape(_NB, _B // _H, _H)
    return _tc_fused(rbf, xi2, xj2, emb, W_rbf, b_rbf.reshape(1, _H), W_lin,
                     b_lin.reshape(1, _H))

# --- scband reference (transcript-rebuilt; emitter-appended) ---
"""Pipeline reference for scband-embedding-block-5119601016933 (READ-ONLY COPY).

The authoritative reference and input builder live on the scoring server;
editing this copy changes nothing except your own understanding.
"""

import jax, jax.numpy as jnp
import numpy as np

N_NODES = 10000
N_EDGES = 320000
NUM_RADIAL = 6
HIDDEN = 128

def setup_inputs(seed: int = 0) -> dict:
    key = jax.random.key(seed)
    k1, k2, k3, k4, k5, k6, k7, k8, k9 = jax.random.split(key, 9)
    x = jax.random.randint(k1, (N_NODES,), 0, 100, dtype=jnp.int64) if jax.config.read('jax_enable_x64') else jax.random.randint(k1, (N_NODES,), 0, 100, dtype=jnp.int32)
    rbf = jax.random.uniform(k2, (N_EDGES, NUM_RADIAL), dtype=jnp.float32)
    i = jax.random.randint(k3, (N_EDGES,), 0, N_NODES, dtype=jnp.int32)
    j = jax.random.randint(k4, (N_EDGES,), 0, N_NODES, dtype=jnp.int32)
    # learned parameters
    emb = jax.random.normal(k5, (100, HIDDEN), dtype=jnp.float32)  # nn.Embedding(100, hidden)
    lim_rbf = 1.0 / np.sqrt(NUM_RADIAL)
    W_rbf = jax.random.uniform(k6, (NUM_RADIAL, HIDDEN), minval=-lim_rbf, maxval=lim_rbf, dtype=jnp.float32)
    b_rbf = jax.random.uniform(k7, (HIDDEN,), minval=-lim_rbf, maxval=lim_rbf, dtype=jnp.float32)
    lim_lin = 1.0 / np.sqrt(3 * HIDDEN)
    W_lin = jax.random.uniform(k8, (3 * HIDDEN, HIDDEN), minval=-lim_lin, maxval=lim_lin, dtype=jnp.float32)
    b_lin = jax.random.uniform(k9, (HIDDEN,), minval=-lim_lin, maxval=lim_lin, dtype=jnp.float32)
    return {"x": x, "rbf": rbf, "i": i, "j": j, "emb": emb,
            "W_rbf": W_rbf, "b_rbf": b_rbf, "W_lin": W_lin, "b_lin": b_lin}

def reference(x, rbf, i, j, emb, W_rbf, b_rbf, W_lin, b_lin):
    # x = self.atom_type_emb(x)
    h = jnp.take(emb, x, axis=0)                      # [N, H] embedding gather
    # rbf = act(self.lin_rbf(rbf)); act = swish/silu
    r = jax.nn.silu(rbf @ W_rbf + b_rbf)              # [E, H]
    # act(self.lin(cat([x[i], x[j], rbf], -1)))
    hi = jnp.take(h, i, axis=0)                       # [E, H] gather by dst
    hj = jnp.take(h, j, axis=0)                       # [E, H] gather by src
    cat = jnp.concatenate([hi, hj, r], axis=-1)       # [E, 3H]
    return jax.nn.silu(cat @ W_lin + b_lin)           # [E, H]

if __name__ == "__main__":
    import jax
    _d = setup_inputs()
    print(jax.jit(kernel)(*tuple(_d.values())))

</pallas_src>

<mosaic_0001>
#map = affine_map<(d0, d1) -> (0)>
module attributes {stable_mosaic.version = 14 : i64} {
  func.func @sc_kernel(%arg0: i32, %arg1: i32, %arg2: memref<10000xi32, #tpu.memory_space<hbm>>, %arg3: memref<320000xi32, #tpu.memory_space<hbm>>, %arg4: memref<320000xi32, #tpu.memory_space<hbm>>, %arg5: memref<320000xi32, #tpu.memory_space<hbm>>, %arg6: memref<320000xi32, #tpu.memory_space<hbm>>, %arg7: memref<10000xi32, #tpu.memory_space<vmem>>, %arg8: memref<10000xi32, #tpu.memory_space<vmem>>, %arg9: memref<10000xi32, #tpu.memory_space<vmem>>) attributes {dimension_semantics = [#tpu.dimension_semantics<core_parallel>, #tpu.dimension_semantics<subcore_parallel>], iteration_bounds = array<i64: 2, 16>, scalar_prefetch = 0 : i64, scratch_operands = 3 : i64, tpu.core_type = #tpu.core_type<sc_vector_subcore>, window_params = [{transform_indices = #map}, {transform_indices = #map}, {transform_indices = #map}, {transform_indices = #map}, {transform_indices = #map}]} {
    %mul3A = arith.constant 2 : i32
    %mul3A_0 = arith.muli %arg1, %mul3A : i32
    %add3A = arith.addi %mul3A_0, %arg0 : i32
    %mul3A_1 = arith.constant 10000 : i32
    %mul3A_2 = arith.muli %add3A, %mul3A_1 : i32
    "tpu.region"() ({
      %run_scoped3A = tpu.sem_alloc : memref<!tpu.dma_semaphore, #tpu.memory_space<semaphore_mem>>
      tpu.enqueue_dma source(%arg2 : memref<10000xi32, #tpu.memory_space<hbm>>) target(%arg7 : memref<10000xi32, #tpu.memory_space<vmem>>) target_semaphore(%run_scoped3A : memref<!tpu.dma_semaphore, #tpu.memory_space<semaphore_mem>>)
      tpu.wait_dma2 semaphore(%run_scoped3A : memref<!tpu.dma_semaphore, #tpu.memory_space<semaphore_mem>>) src(%arg2 : memref<10000xi32, #tpu.memory_space<hbm>>) dst(%arg7 : memref<10000xi32, #tpu.memory_space<vmem>>)
      tpu.yield
    }) : () -> ()
    "tpu.region"() ({
      %run_scoped3A = tpu.sem_alloc : memref<!tpu.dma_semaphore, #tpu.memory_space<semaphore_mem>>
      %dma_start3A = tpu.memref_slice %arg3[%mul3A_2] : memref<320000xi32, #tpu.memory_space<hbm>> -> memref<10000xi32, #tpu.memory_space<hbm>>
      %dma_start3A_8 = tpu.memref_slice %arg3[%mul3A_2] : memref<320000xi32, #tpu.memory_space<hbm>> -> memref<10000xi32, #tpu.memory_space<hbm>>
      tpu.enqueue_dma source(%dma_start3A_8 : memref<10000xi32, #tpu.memory_space<hbm>>) target(%arg8 : memref<10000xi32, #tpu.memory_space<vmem>>) target_semaphore(%run_scoped3A : memref<!tpu.dma_semaphore, #tpu.memory_space<semaphore_mem>>)
      %dma_wait3A = tpu.memref_slice %arg3[%mul3A_2] : memref<320000xi32, #tpu.memory_space<hbm>> -> memref<10000xi32, #tpu.memory_space<hbm>>
      %dma_wait3A_9 = tpu.memref_slice %arg3[%mul3A_2] : memref<320000xi32, #tpu.memory_space<hbm>> -> memref<10000xi32, #tpu.memory_space<hbm>>
      tpu.wait_dma2 semaphore(%run_scoped3A : memref<!tpu.dma_semaphore, #tpu.memory_space<semaphore_mem>>) src(%dma_wait3A_9 : memref<10000xi32, #tpu.memory_space<hbm>>) dst(%arg8 : memref<10000xi32, #tpu.memory_space<vmem>>)
      tpu.yield
    }) : () -> ()
    %parallel_loop3A = arith.constant 0 : i32
    %parallel_loop3A_3 = arith.constant 625 : i32
    %parallel_loop3A_4 = arith.constant 1 : i32
    scf.for %parallel_loop3A_8 = %parallel_loop3A to %parallel_loop3A_3 step %parallel_loop3A_4  : i32 {
      %parallel_loop3A_9 = arith.constant 16 : i32
      %parallel_loop3A_10 = arith.muli %parallel_loop3A_8, %parallel_loop3A_9 : i32
      %parallel_loop3A_11 = arith.index_cast %parallel_loop3A_10 : i32 to index
      %parallel_loop3A_12 = tpu.vector_load %arg8[%parallel_loop3A_11] {strides = array<i32>} : memref<10000xi32, #tpu.memory_space<vmem>>, vector<16xi32>,
      %parallel_loop3A_13 = tpu.vector_load_idx %arg7[%parallel_loop3A_12] : memref<10000xi32, #tpu.memory_space<vmem>>[vector<16xi32>], vector<16xi32>,
      %parallel_loop3A_14 = arith.index_cast %parallel_loop3A_10 : i32 to index
      %parallel_loop3A_15 = tpu.vector_load %arg9[%parallel_loop3A_14] {strides = array<i32>} : memref<10000xi32, #tpu.memory_space<vmem>>, vector<16xi32>,
      tpu.vector_store %arg9[%parallel_loop3A_14], %parallel_loop3A_13 {strides = array<i32>} : memref<10000xi32, #tpu.memory_space<vmem>>, vector<16xi32>,
    } {sc.loop_unroll_factor = 8 : i64, sc.parallel_access}
    "tpu.region"() ({
      %run_scoped3A = tpu.sem_alloc : memref<!tpu.dma_semaphore, #tpu.memory_space<semaphore_mem>>
      %dma_start3A = tpu.memref_slice %arg5[%mul3A_2] : memref<320000xi32, #tpu.memory_space<hbm>> -> memref<10000xi32, #tpu.memory_space<hbm>>
      %dma_start3A_8 = tpu.memref_slice %arg5[%mul3A_2] : memref<320000xi32, #tpu.memory_space<hbm>> -> memref<10000xi32, #tpu.memory_space<hbm>>
      tpu.enqueue_dma source(%arg9 : memref<10000xi32, #tpu.memory_space<vmem>>) target(%dma_start3A_8 : memref<10000xi32, #tpu.memory_space<hbm>>) target_semaphore(%run_scoped3A : memref<!tpu.dma_semaphore, #tpu.memory_space<semaphore_mem>>)
      %dma_wait3A = tpu.memref_slice %arg5[%mul3A_2] : memref<320000xi32, #tpu.memory_space<hbm>> -> memref<10000xi32, #tpu.memory_space<hbm>>
      %dma_wait3A_9 = tpu.memref_slice %arg5[%mul3A_2] : memref<320000xi32, #tpu.memory_space<hbm>> -> memref<10000xi32, #tpu.memory_space<hbm>>
      tpu.wait_dma2 semaphore(%run_scoped3A : memref<!tpu.dma_semaphore, #tpu.memory_space<semaphore_mem>>) src(%arg9 : memref<10000xi32, #tpu.memory_space<vmem>>) dst(%dma_wait3A_9 : memref<10000xi32, #tpu.memory_space<hbm>>)
      tpu.yield
    }) : () -> ()
    "tpu.region"() ({
      %run_scoped3A = tpu.sem_alloc : memref<!tpu.dma_semaphore, #tpu.memory_space<semaphore_mem>>
      %dma_start3A = tpu.memref_slice %arg4[%mul3A_2] : memref<320000xi32, #tpu.memory_space<hbm>> -> memref<10000xi32, #tpu.memory_space<hbm>>
      %dma_start3A_8 = tpu.memref_slice %arg4[%mul3A_2] : memref<320000xi32, #tpu.memory_space<hbm>> -> memref<10000xi32, #tpu.memory_space<hbm>>
      tpu.enqueue_dma source(%dma_start3A_8 : memref<10000xi32, #tpu.memory_space<hbm>>) target(%arg8 : memref<10000xi32, #tpu.memory_space<vmem>>) target_semaphore(%run_scoped3A : memref<!tpu.dma_semaphore, #tpu.memory_space<semaphore_mem>>)
      %dma_wait3A = tpu.memref_slice %arg4[%mul3A_2] : memref<320000xi32, #tpu.memory_space<hbm>> -> memref<10000xi32, #tpu.memory_space<hbm>>
      %dma_wait3A_9 = tpu.memref_slice %arg4[%mul3A_2] : memref<320000xi32, #tpu.memory_space<hbm>> -> memref<10000xi32, #tpu.memory_space<hbm>>
      tpu.wait_dma2 semaphore(%run_scoped3A : memref<!tpu.dma_semaphore, #tpu.memory_space<semaphore_mem>>) src(%dma_wait3A_9 : memref<10000xi32, #tpu.memory_space<hbm>>) dst(%arg8 : memref<10000xi32, #tpu.memory_space<vmem>>)
      tpu.yield
    }) : () -> ()
    %parallel_loop3A_5 = arith.constant 0 : i32
    %parallel_loop3A_6 = arith.constant 625 : i32
    %parallel_loop3A_7 = arith.constant 1 : i32
    scf.for %parallel_loop3A_8 = %parallel_loop3A_5 to %parallel_loop3A_6 step %parallel_loop3A_7  : i32 {
      %parallel_loop3A_9 = arith.constant 16 : i32
      %parallel_loop3A_10 = arith.muli %parallel_loop3A_8, %parallel_loop3A_9 : i32
      %parallel_loop3A_11 = arith.index_cast %parallel_loop3A_10 : i32 to index
      %parallel_loop3A_12 = tpu.vector_load %arg8[%parallel_loop3A_11] {strides = array<i32>} : memref<10000xi32, #tpu.memory_space<vmem>>, vector<16xi32>,
      %parallel_loop3A_13 = tpu.vector_load_idx %arg7[%parallel_loop3A_12] : memref<10000xi32, #tpu.memory_space<vmem>>[vector<16xi32>], vector<16xi32>,
      %parallel_loop3A_14 = arith.index_cast %parallel_loop3A_10 : i32 to index
      %parallel_loop3A_15 = tpu.vector_load %arg9[%parallel_loop3A_14] {strides = array<i32>} : memref<10000xi32, #tpu.memory_space<vmem>>, vector<16xi32>,
      tpu.vector_store %arg9[%parallel_loop3A_14], %parallel_loop3A_13 {strides = array<i32>} : memref<10000xi32, #tpu.memory_space<vmem>>, vector<16xi32>,
    } {sc.loop_unroll_factor = 8 : i64, sc.parallel_access}
    "tpu.region"() ({
      %run_scoped3A = tpu.sem_alloc : memref<!tpu.dma_semaphore, #tpu.memory_space<semaphore_mem>>
      %dma_start3A = tpu.memref_slice %arg6[%mul3A_2] : memref<320000xi32, #tpu.memory_space<hbm>> -> memref<10000xi32, #tpu.memory_space<hbm>>
      %dma_start3A_8 = tpu.memref_slice %arg6[%mul3A_2] : memref<320000xi32, #tpu.memory_space<hbm>> -> memref<10000xi32, #tpu.memory_space<hbm>>
      tpu.enqueue_dma source(%arg9 : memref<10000xi32, #tpu.memory_space<vmem>>) target(%dma_start3A_8 : memref<10000xi32, #tpu.memory_space<hbm>>) target_semaphore(%run_scoped3A : memref<!tpu.dma_semaphore, #tpu.memory_space<semaphore_mem>>)
      %dma_wait3A = tpu.memref_slice %arg6[%mul3A_2] : memref<320000xi32, #tpu.memory_space<hbm>> -> memref<10000xi32, #tpu.memory_space<hbm>>
      %dma_wait3A_9 = tpu.memref_slice %arg6[%mul3A_2] : memref<320000xi32, #tpu.memory_space<hbm>> -> memref<10000xi32, #tpu.memory_space<hbm>>
      tpu.wait_dma2 semaphore(%run_scoped3A : memref<!tpu.dma_semaphore, #tpu.memory_space<semaphore_mem>>) src(%arg9 : memref<10000xi32, #tpu.memory_space<vmem>>) dst(%dma_wait3A_9 : memref<10000xi32, #tpu.memory_space<hbm>>)
      tpu.yield
    }) : () -> ()
    return
  }
}

module attributes {stable_mosaic.version = 14 : i64} {
  func.func @_tc_body(%arg0: i32, %arg1: memref<2560x6xf32, #tpu.memory_space<vmem>>, %arg2: memref<1x20x128xi32, #tpu.memory_space<vmem>>, %arg3: memref<1x20x128xi32, #tpu.memory_space<vmem>>, %arg4: memref<100x128xf32, #tpu.memory_space<vmem>>, %arg5: memref<6x128xf32, #tpu.memory_space<vmem>>, %arg6: memref<1x128xf32, #tpu.memory_space<vmem>>, %arg7: memref<384x128xf32, #tpu.memory_space<vmem>>, %arg8: memref<1x128xf32, #tpu.memory_space<vmem>>, %arg9: memref<2560x128xf32, #tpu.memory_space<vmem>>, %arg10: memref<256x128xf32, #tpu.memory_space<vmem>>) attributes {dimension_semantics = [#tpu.dimension_semantics<arbitrary>], iteration_bounds = array<i64: 125>, scalar_prefetch = 0 : i64, scratch_operands = 1 : i64, tpu.core_type = #tpu.core_type<tc>, window_params = [{transform_indices = @transform_0, window_bounds = array<i64: 2560, 6>}, {transform_indices = @transform_1, window_bounds = array<i64: 1, 20, 128>}, {transform_indices = @transform_2, window_bounds = array<i64: 1, 20, 128>}, {pipeline_mode = #tpu.pipeline_mode<synchronous>, transform_indices = @transform_3, window_bounds = array<i64: 100, 128>}, {pipeline_mode = #tpu.pipeline_mode<synchronous>, transform_indices = @transform_4, window_bounds = array<i64: 6, 128>}, {pipeline_mode = #tpu.pipeline_mode<synchronous>, transform_indices = @transform_5, window_bounds = array<i64: 1, 128>}, {pipeline_mode = #tpu.pipeline_mode<synchronous>, transform_indices = @transform_6, window_bounds = array<i64: 384, 128>}, {pipeline_mode = #tpu.pipeline_mode<synchronous>, transform_indices = @transform_7, window_bounds = array<i64: 1, 128>}, {transform_indices = @transform_8, window_bounds = array<i64: 2560, 128>}]} {
    %eq3A = arith.constant 0 : i32
    %eq3A_0 = arith.cmpi eq, %arg0, %eq3A : i32
    %convert_element_type3A = arith.extui %eq3A_0 : i1 to i32
    %cond3A = arith.constant 0 : i32
    %cond3A_1 = arith.cmpi ne, %convert_element_type3A, %cond3A : i32
    scf.if %cond3A_1 {
      %get3A_66 = arith.constant 0 : index
      %get3A_67 = arith.constant 0 : index
      %get3A_68 = vector.load %arg4[%get3A_66, %get3A_67] : memref<100x128xf32, #tpu.memory_space<vmem>>, vector<100x128xf32>
      %broadcast_in_dim3A_69 = arith.constant 0.000000e+00 : f32
      %broadcast_in_dim3A_70 = vector.broadcast %broadcast_in_dim3A_69 : f32 to vector<28x128xf32>
      %concatenate3A = tpu.concatenate %get3A_68, %broadcast_in_dim3A_70 in 0 : vector<100x128xf32>, vector<28x128xf32> -> vector<128x128xf32>
      %get3A_71 = arith.constant 0 : index
      %get3A_72 = arith.constant 0 : index
      %get3A_73 = vector.load %arg7[%get3A_71, %get3A_72] : memref<384x128xf32, #tpu.memory_space<vmem>>, vector<128x128xf32>
      %dot_general3A_74 = arith.constant dense<0.000000e+00> : vector<128x128xf32>
      %dot_general3A_75 = tpu.matmul %concatenate3A, %get3A_73, %dot_general3A_74 {dimension_numbers = #tpu.dot_dimension_numbers<[1], [0], [0], [1], [0, 0, 1, 1], [], []>, transpose_lhs_hint = false} : vector<128x128xf32>, vector<128x128xf32>, vector<128x128xf32> -> vector<128x128xf32>
      %swap3A_76 = arith.constant 0 : index
      %swap3A_77 = arith.constant 0 : index
      %swap3A_78 = vector.load %arg10[%swap3A_76, %swap3A_77] : memref<256x128xf32, #tpu.memory_space<vmem>>, vector<128x128xf32>
      tpu.vector_store %arg10[%swap3A_76, %swap3A_77], %dot_general3A_75 {strides = array<i32>} : memref<256x128xf32, #tpu.memory_space<vmem>>, vector<128x128xf32>,
      %get3A_79 = arith.constant 128 : index
      %get3A_80 = arith.constant 0 : index
      %get3A_81 = vector.load %arg7[%get3A_79, %get3A_80] : memref<384x128xf32, #tpu.memory_space<vmem>>, vector<128x128xf32>
      %dot_general3A_82 = arith.constant dense<0.000000e+00> : vector<128x128xf32>
      %dot_general3A_83 = tpu.matmul %concatenate3A, %get3A_81, %dot_general3A_82 {dimension_numbers = #tpu.dot_dimension_numbers<[1], [0], [0], [1], [0, 0, 1, 1], [], []>, transpose_lhs_hint = false} : vector<128x128xf32>, vector<128x128xf32>, vector<128x128xf32> -> vector<128x128xf32>
      %swap3A_84 = arith.constant 128 : index
      %swap3A_85 = arith.constant 0 : index
      %swap3A_86 = vector.load %arg10[%swap3A_84, %swap3A_85] : memref<256x128xf32, #tpu.memory_space<vmem>>, vector<128x128xf32>
      tpu.vector_store %arg10[%swap3A_84, %swap3A_85], %dot_general3A_83 {strides = array<i32>} : memref<256x128xf32, #tpu.memory_space<vmem>>, vector<128x128xf32>,
    } else {
    }
    %get3A = arith.constant 0 : index
    %get3A_2 = arith.constant 0 : index
    %get3A_3 = vector.load %arg1[%get3A, %get3A_2] : memref<2560x6xf32, #tpu.memory_space<vmem>>, vector<2560x6xf32>
    %get3A_4 = arith.constant 0 : index
    %get3A_5 = arith.constant 0 : index
    %get3A_6 = vector.load %arg5[%get3A_4, %get3A_5] : memref<6x128xf32, #tpu.memory_space<vmem>>, vector<6x128xf32>
    %dot_general3A = arith.constant dense<0.000000e+00> : vector<2560x128xf32>
    %dot_general3A_7 = tpu.matmul %get3A_3, %get3A_6, %dot_general3A {dimension_numbers = #tpu.dot_dimension_numbers<[1], [0], [0], [1], [0, 0, 1, 1], [], []>, transpose_lhs_hint = false} : vector<2560x6xf32>, vector<6x128xf32>, vector<2560x128xf32> -> vector<2560x128xf32>
    %get3A_8 = arith.constant 0 : index
    %get3A_9 = arith.constant 0 : index
    %get3A_10 = vector.load %arg6[%get3A_8, %get3A_9] : memref<1x128xf32, #tpu.memory_space<vmem>>, vector<1x128xf32>
    %add3A = vector.broadcast %get3A_10 : vector<1x128xf32> to vector<2560x128xf32>
    %add3A_11 = arith.addf %dot_general3A_7, %add3A : vector<2560x128xf32>
    %mul3A = arith.constant 5.000000e-01 : f32
    %mul3A_12 = vector.broadcast %mul3A : f32 to vector<2560x128xf32>
    %mul3A_13 = arith.mulf %add3A_11, %mul3A_12 : vector<2560x128xf32>
    %tanh3A = math.tanh %mul3A_13 : vector<2560x128xf32>
    %mul3A_14 = arith.mulf %mul3A_13, %tanh3A : vector<2560x128xf32>
    %add3A_15 = arith.addf %mul3A_14, %mul3A_13 : vector<2560x128xf32>
    %iota3A = tpu.iota {dimensions = array<i32: 0>} : vector<128x2560xi32>
    %get3A_16 = arith.constant 0 : index
    %get3A_17 = arith.constant 0 : index
    %get3A_18 = arith.constant 0 : index
    %get3A_19 = vector.load %arg2[%get3A_16, %get3A_17, %get3A_18] : memref<1x20x128xi32, #tpu.memory_space<vmem>>, vector<1x20x128xi32>
    %reshape3A = vector.shape_cast %get3A_19 : vector<1x20x128xi32> to vector<1x2560xi32>
    %eq3A_20 = vector.broadcast %reshape3A : vector<1x2560xi32> to vector<128x2560xi32>
    %eq3A_21 = arith.cmpi eq, %eq3A_20, %iota3A : vector<128x2560xi32>
    %jit3A = arith.constant 1.000000e+00 : f32
    %jit3A_22 = arith.constant 0.000000e+00 : f32
    %broadcast_in_dim3A = vector.broadcast %jit3A : f32 to vector<128x2560xf32>
    %broadcast_in_dim3A_23 = vector.broadcast %jit3A_22 : f32 to vector<128x2560xf32>
    %select_n3A = arith.select %eq3A_21, %broadcast_in_dim3A, %broadcast_in_dim3A_23 : vector<128x2560xi1>, vector<128x2560xf32>
    %get3A_24 = arith.constant 0 : index
    %get3A_25 = arith.constant 0 : index
    %get3A_26 = arith.constant 0 : index
    %get3A_27 = vector.load %arg3[%get3A_24, %get3A_25, %get3A_26] : memref<1x20x128xi32, #tpu.memory_space<vmem>>, vector<1x20x128xi32>
    %reshape3A_28 = vector.shape_cast %get3A_27 : vector<1x20x128xi32> to vector<1x2560xi32>
    %eq3A_29 = vector.broadcast %reshape3A_28 : vector<1x2560xi32> to vector<128x2560xi32>
    %eq3A_30 = arith.cmpi eq, %eq3A_29, %iota3A : vector<128x2560xi32>
    %jit3A_31 = arith.constant 1.000000e+00 : f32
    %jit3A_32 = arith.constant 0.000000e+00 : f32
    %broadcast_in_dim3A_33 = vector.broadcast %jit3A_31 : f32 to vector<128x2560xf32>
    %broadcast_in_dim3A_34 = vector.broadcast %jit3A_32 : f32 to vector<128x2560xf32>
    %select_n3A_35 = arith.select %eq3A_30, %broadcast_in_dim3A_33, %broadcast_in_dim3A_34 : vector<128x2560xi1>, vector<128x2560xf32>
    %get3A_36 = arith.constant 0 : index
    %get3A_37 = arith.constant 0 : index
    %get3A_38 = vector.load %arg10[%get3A_36, %get3A_37] : memref<256x128xf32, #tpu.memory_space<vmem>>, vector<128x128xf32>
    %dot_general3A_39 = arith.constant dense<0.000000e+00> : vector<2560x128xf32>
    %dot_general3A_40 = tpu.matmul %select_n3A, %get3A_38, %dot_general3A_39 {dimension_numbers = #tpu.dot_dimension_numbers<[0], [0], [1], [1], [0, 1, 1, 1], [], []>, transpose_lhs_hint = false} : vector<128x2560xf32>, vector<128x128xf32>, vector<2560x128xf32> -> vector<2560x128xf32>
    %get3A_41 = arith.constant 128 : index
    %get3A_42 = arith.constant 0 : index
    %get3A_43 = vector.load %arg10[%get3A_41, %get3A_42] : memref<256x128xf32, #tpu.memory_space<vmem>>, vector<128x128xf32>
    %dot_general3A_44 = arith.constant dense<0.000000e+00> : vector<2560x128xf32>
    %dot_general3A_45 = tpu.matmul %select_n3A_35, %get3A_43, %dot_general3A_44 {dimension_numbers = #tpu.dot_dimension_numbers<[0], [0], [1], [1], [0, 1, 1, 1], [], []>, transpose_lhs_hint = false} : vector<128x2560xf32>, vector<128x128xf32>, vector<2560x128xf32> -> vector<2560x128xf32>
    %add3A_46 = arith.addf %dot_general3A_40, %dot_general3A_45 : vector<2560x128xf32>
    %get3A_47 = arith.constant 256 : index
    %get3A_48 = arith.constant 0 : index
    %get3A_49 = vector.load %arg7[%get3A_47, %get3A_48] : memref<384x128xf32, #tpu.memory_space<vmem>>, vector<128x128xf32>
    %dot_general3A_50 = arith.constant dense<0.000000e+00> : vector<2560x128xf32>
    %dot_general3A_51 = tpu.matmul %add3A_15, %get3A_49, %dot_general3A_50 {dimension_numbers = #tpu.dot_dimension_numbers<[1], [0], [0], [1], [0, 0, 1, 1], [], []>, transpose_lhs_hint = false} : vector<2560x128xf32>, vector<128x128xf32>, vector<2560x128xf32> -> vector<2560x128xf32>
    %add3A_52 = arith.addf %add3A_46, %dot_general3A_51 : vector<2560x128xf32>
    %get3A_53 = arith.constant 0 : index
    %get3A_54 = arith.constant 0 : index
    %get3A_55 = vector.load %arg8[%get3A_53, %get3A_54] : memref<1x128xf32, #tpu.memory_space<vmem>>, vector<1x128xf32>
    %add3A_56 = vector.broadcast %get3A_55 : vector<1x128xf32> to vector<2560x128xf32>
    %add3A_57 = arith.addf %add3A_52, %add3A_56 : vector<2560x128xf32>
    %mul3A_58 = arith.constant 5.000000e-01 : f32
    %mul3A_59 = vector.broadcast %mul3A_58 : f32 to vector<2560x128xf32>
    %mul3A_60 = arith.mulf %add3A_57, %mul3A_59 : vector<2560x128xf32>
    %tanh3A_61 = math.tanh %mul3A_60 : vector<2560x128xf32>
    %mul3A_62 = arith.mulf %mul3A_60, %tanh3A_61 : vector<2560x128xf32>
    %add3A_63 = arith.addf %mul3A_62, %mul3A_60 : vector<2560x128xf32>
    %swap3A = arith.constant 0 : index
    %swap3A_64 = arith.constant 0 : index
    %swap3A_65 = vector.load %arg9[%swap3A, %swap3A_64] : memref<2560x128xf32, #tpu.memory_space<vmem>>, vector<2560x128xf32>
    tpu.vector_store %arg9[%swap3A, %swap3A_64], %add3A_63 {strides = array<i32>} : memref<2560x128xf32, #tpu.memory_space<vmem>>, vector<2560x128xf32>,
    return
  }
  func.func @transform_0(%arg0: i32) -> (i32, i32) {
    %c0_i32 = arith.constant 0 : i32
    %c0_i32_0 = arith.constant 0 : i32
    return %arg0, %c0_i32 : i32, i32
  }
  func.func @transform_1(%arg0: i32) -> (i32, i32, i32) {
    %c0_i32 = arith.constant 0 : i32
    %c0_i32_0 = arith.constant 0 : i32
    %c0_i32_1 = arith.constant 0 : i32
    return %arg0, %c0_i32, %c0_i32_0 : i32, i32, i32
  }
  func.func @transform_2(%arg0: i32) -> (i32, i32, i32) {
    %c0_i32 = arith.constant 0 : i32
    %c0_i32_0 = arith.constant 0 : i32
    %c0_i32_1 = arith.constant 0 : i32
    return %arg0, %c0_i32, %c0_i32_0 : i32, i32, i32
  }
  func.func @transform_3(%arg0: i32) -> (i32, i32) {
    %c0_i32 = arith.constant 0 : i32
    %c0_i32_0 = arith.constant 0 : i32
    %c0_i32_1 = arith.constant 0 : i32
    return %c0_i32, %c0_i32_0 : i32, i32
  }
  func.func @transform_4(%arg0: i32) -> (i32, i32) {
    %c0_i32 = arith.constant 0 : i32
    %c0_i32_0 = arith.constant 0 : i32
    %c0_i32_1 = arith.constant 0 : i32
    return %c0_i32, %c0_i32_0 : i32, i32
  }
  func.func @transform_5(%arg0: i32) -> (i32, i32) {
    %c0_i32 = arith.constant 0 : i32
    %c0_i32_0 = arith.constant 0 : i32
    %c0_i32_1 = arith.constant 0 : i32
    return %c0_i32, %c0_i32_0 : i32, i32
  }
  func.func @transform_6(%arg0: i32) -> (i32, i32) {
    %c0_i32 = arith.constant 0 : i32
    %c0_i32_0 = arith.constant 0 : i32
    %c0_i32_1 = arith.constant 0 : i32
    return %c0_i32, %c0_i32_0 : i32, i32
  }
  func.func @transform_7(%arg0: i32) -> (i32, i32) {
    %c0_i32 = arith.constant 0 : i32
    %c0_i32_0 = arith.constant 0 : i32
    %c0_i32_1 = arith.constant 0 : i32
    return %c0_i32, %c0_i32_0 : i32, i32
  }
  func.func @transform_8(%arg0: i32) -> (i32, i32) {
    %c0_i32 = arith.constant 0 : i32
    %c0_i32_0 = arith.constant 0 : i32
    return %arg0, %c0_i32 : i32, i32
  }
}

</mosaic_0001>

<sc_bundles>
// kernel: kernel.4.cloned.1.call-start
scs
__scs_entry_jumppad:
0x0: {  	(pc) =	sbr.rel $0x88, $3  }
0x1: {  	(tag) =	ssettag $0x0;
	lr =	simm.s32 $0x1  }
0x2: {  	[smem:$0x3F98] =	sst lr;
	_ =	strace $0xD0000000  }
0x3: {  	_ = 	snop  }
0x4: {  	_ = 	snop  }
0x5: {  	_ = 	snop  }
0x6: {  	_ = 	snop  }
0x7: {  	_ = 	snop  }
__scs_overlays_trampoline_lowered:
0x8: {  	[smem:$0x3FA7] =	sst s0  }
0x9: {  	[smem:$0x3FA8] =	sst s1  }
0xa: {  	[smem:$0x3FA9] =	sst s2  }
0xb: {  	[smem:$0x3FAA] =	sst s3  }
0xc: {  	[smem:$0x3FAB] =	sst s4  }
0xd: {  	[smem:$0x3FAC] =	sst s5  }
0xe: {  	[smem:$0x3FAD] =	sst s6  }
0xf: {  	[smem:$0x3FAE] =	sst s7  }
0x10: {  	[smem:$0x3FAF] =	sst s8  }
0x11: {  	[smem:$0x3FB0] =	sst s9;
	s0 =	simm.s32 @!p0 $0x0  }
0x12: {  	s1 =	sld [smem:$0x3F96];
	s0 =	simm.s32 @p0 $0x1  }
0x13: {  	[smem:$0x3FB1] =	sst s0;
	s0 =	simm.s32 @!p1 $0x0  }
0x14: {  	s2 =	sld [smem:$0x3F95];
	s0 =	simm.s32 @p1 $0x1  }
0x15: {  	[smem:$0x3FB2] =	sst s0;
	s0 =	simm.s32 @!p2 $0x0  }
0x16: {  	s3 =	sld [smem:$0x3FDB];
	s0 =	simm.s32 @p2 $0x1  }
0x17: {  	s4 =	simm.s32 $0x1BF5;
	[smem:$0x3FB4] =	sst s0  }
0x18: {  	s0 =	sld [smem:$0x3F97];
	_ =	swait.ge [sflag:s4], $0x0  }
0x19: {  	s7 =	sld [smem:$0x3F98]  }
0x1a: {  	s8 =	sadd.s32 $0xFFFFE003, lr  }
0x1b: {  	s9 =	sadd.s32 $0xFFFFFEF7, lr;
	s5 =	simm.s32 $0xFFFFFFFF;
	p2 =	slt.u32 s8, $0xFFFFF086  }
0x1c: {  	p1 =	slt.u32 s9, $0xF7A;
	s5 =	simm.s32 @!p2 $0x0  }
0x1d: {  	s5 =	simm.s32 @p1 $0x1;
	p0 =	seq.s32 s7, s2  }
0x1e: {  	s7 =	smul.u32 @!p0 $0xF7A, s2;
	p2 =	seq.s32 @!p0 s5, $0x0  }
0x1f: {  	s9 =	smul.u32 $0xF7A, s1;
	s8 =	simm.s32 @!p0 $0x1BF5;
	p2 =	por !p2, p0  }
0x20: {  	[sflag:s8] =	ssyncset.s32 @!p0 $0xFFFFF086;
	s6 =	sadd.s32 @!p0 s3, s7;
	s7 =	simm.s32 @!p0 $0x108  }
0x21: {  	s3 =	sadd.s32 s3, s9;
	s6 =	sadd.s32 @!p0 $0x88, s6;
	s7 =	simm.s32 @p2 $0x1082  }
0x22: {  	[simem:s7], [sflag:s8] =	dma.local @!p0 [hbm:s6], $0xF7A  }
0x23: {  	s9 =	sor.u32 $0xD0000000, s2;
	s6 =	simm.s32 $0x108;
	_ =	swait.ge @!p0 [sflag:s8], $0x0  }
0x24: {  	s3 =	sadd.s32 $0x88, s3;
	s6 =	simm.s32 @!p1 $0x1082;
	[sflag:s4] =	ssyncset.s32 $0xFFFFF086  }
0x25: {  	[simem:s6], [sflag:s4] =	dma.local [hbm:s3], $0xF7A  }
0x26: {  	[smem:$0x3F98] =	sst s1;
	(tag) =	ssettag s2;
	_ =	strace s9  }
0x27: {  	s1 =	sld [smem:$0x3FA8]  }
0x28: {  	s2 =	sld [smem:$0x3FA9]  }
0x29: {  	s4 =	sld [smem:$0x3FAB]  }
0x2a: {  	p0 =	seq.s32 s5, $0x0;
	s5 =	sld [smem:$0x3FAC]  }
0x2b: {  	s6 =	sld [smem:$0x3FAD]  }
0x2c: {  	s7 =	sld [smem:$0x3FAE]  }
0x2d: {  	s3 =	simm.s32 $0x108;
	s8 =	sld [smem:$0x3FAF]  }
0x2e: {  	s3 =	simm.s32 @!p0 $0x1082;
	s9 =	sld [smem:$0x3FB0]  }
0x2f: {  	lr =	sadd.s32 s0, s3;
	s0 =	sld [smem:$0x3FA7]  }
0x30: {  	s3 =	sld [smem:$0x3FAA]  }
0x31: {  	[smem:$0x3FB3] =	sst s10  }
0x32: {  	s10 =	sld [smem:$0x3FB1];
	_ =	sdelay $0x3  }
0x33: {  	p0 =	seq.s32 s10, $0x1;
	s10 =	sld [smem:$0x3FB3];
	_ =	sdelay $0x3  }
0x34: {  	[smem:$0x3FB3] =	sst s10  }
0x35: {  	s10 =	sld [smem:$0x3FB2];
	_ =	sdelay $0x3  }
0x36: {  	p1 =	seq.s32 s10, $0x1;
	s10 =	sld [smem:$0x3FB3];
	_ =	sdelay $0x3  }
0x37: {  	[smem:$0x3FB3] =	sst s10  }
0x38: {  	s10 =	sld [smem:$0x3FB4]  }
0x39: {  	_ = 	snop;
	(pc) =	sbr.ind lr, $3  }
0x3a: {  	_ = 	snop  }
0x3b: {  	_ = 	snop  }
0x3c: {  	p2 =	seq.s32 s10, $0x1;
	s10 =	sld [smem:$0x3FB3]  }
0x3d: {  	_ =	shalt  }
0x3e: {  	_ =	shalt  }
0x3f: {  	_ =	shalt  }
0x40: {  	_ =	shalt  }
0x41: {  	_ =	shalt  }
0x42: {  	_ =	shalt  }
0x43: {  	_ =	shalt  }
0x44: {  	_ =	shalt  }
0x45: {  	_ =	shalt  }
0x46: {  	_ =	shalt  }
0x47: {  	_ =	shalt  }
0x48: {  	_ =	shalt  }
0x49: {  	_ =	shalt  }
0x4a: {  	_ =	shalt  }
0x4b: {  	_ =	shalt  }
0x4c: {  	_ =	shalt  }
0x4d: {  	_ =	shalt  }
0x4e: {  	_ =	shalt  }
0x4f: {  	_ =	shalt  }
0x50: {  	_ =	shalt  }
0x51: {  	_ =	shalt  }
0x52: {  	_ =	shalt  }
0x53: {  	_ =	shalt  }
0x54: {  	_ =	shalt  }
0x55: {  	_ =	shalt  }
0x56: {  	_ =	shalt  }
0x57: {  	_ =	shalt  }
0x58: {  	_ =	shalt  }
0x59: {  	_ =	shalt  }
0x5a: {  	_ =	shalt  }
0x5b: {  	_ =	shalt  }
0x5c: {  	_ =	shalt  }
0x5d: {  	_ =	shalt  }
0x5e: {  	_ =	shalt  }
0x5f: {  	_ =	shalt  }
0x60: {  	_ =	shalt  }
0x61: {  	_ =	shalt  }
0x62: {  	_ =	shalt  }
0x63: {  	_ =	shalt  }
0x64: {  	_ =	shalt  }
0x65: {  	_ =	shalt  }
0x66: {  	_ =	shalt  }
0x67: {  	_ =	shalt  }
0x68: {  	_ =	shalt  }
0x69: {  	_ =	shalt  }
0x6a: {  	_ =	shalt  }
0x6b: {  	_ =	shalt  }
0x6c: {  	_ =	shalt  }
0x6d: {  	_ =	shalt  }
0x6e: {  	_ =	shalt  }
0x6f: {  	_ =	shalt  }
0x70: {  	_ =	shalt  }
0x71: {  	_ =	shalt  }
0x72: {  	_ =	shalt  }
0x73: {  	_ =	shalt  }
0x74: {  	_ =	shalt  }
0x75: {  	_ =	shalt  }
0x76: {  	_ =	shalt  }
0x77: {  	_ =	shalt  }
0x78: {  	_ =	shalt  }
0x79: {  	_ =	shalt  }
0x7a: {  	_ =	shalt  }
0x7b: {  	_ =	shalt  }
0x7c: {  	_ =	shalt  }
0x7d: {  	_ =	shalt  }
0x7e: {  	_ =	shalt  }
0x7f: {  	_ =	shalt  }
0x80: {  	_ =	shalt  }
0x81: {  	_ =	shalt  }
0x82: {  	_ =	shalt  }
0x83: {  	_ =	shalt  }
0x84: {  	_ =	shalt  }
0x85: {  	_ =	shalt  }
0x86: {  	_ =	shalt  }
0x87: {  	_ =	shalt  }
.Lfunc_end0:
.L_simem_size_0:
called_computation_lowered:
.L_overlay_start_0:
0x88: {  	s2 =	sld [smem:$0x3FD9]  }
0x89: {  	s3 =	sld [smem:$0x3FFE];
	_ =	sdelay $0x1  }
0x8a: {  	s1 =	srdreg.scid  }
0x8b: {  	s0 =	sand.u32 $0x1, s1  }
0x8c: {  	s17 =	sshll.u32 s0, $0xA;
	s2 =	sadd.s32 s3, s2  }
0x8d: {  	s2 =	sadd.s32 s2, s17  }
0x8e: {  	[smem:$0x3FBF] =	sst s2  }
0x8f: {  	_ = 	snop  }
0x90: {  	s2 =	sld [smem:$0x3FC9]  }
0x91: {  	s18 =	sld [smem:$0x3FC7]  }
0x92: {  	s4 =	sld [smem:$0x3FC6]  }
0x93: {  	s5 =	sld [smem:$0x3FD0];
	(tm) =	ssettm $0x1  }
0x94: {  	s6 =	sld [smem:$0x3FFB];
	_ =	sdelay $0x3  }
0x95: {  	_ =	strace s6  }
0x96: {  	s6 =	sld [smem:$0x3FFC];
	_ =	sdelay $0x3  }
0x97: {  	_ =	strace s6  }
0x98: {  	s6 =	sld [smem:$0x3FFD];
	_ =	sdelay $0x3  }
0x99: {  	_ =	strace s6  }
0x9a: {  	_ =	strace $0x8FFFFFFF  }
0x9b: {  	s19 =	sld [smem:$0x3FDB];
	_ =	sdelay $0x1  }
0x9c: {  	s7 =	simm.s32 $_scs_section_size  }
0x9d: {  	s8 =	simm.s32 $_size__tile_overlayer_lowered;
	s9 =	simm.s32 $_tile_overlayer_lowered  }
0x9e: {  	s22 =	simm.s32 $0x1BFF;
	s21 =	sshll.u32 s9, $0x1;
	s6 =	sadd.s32 s7, s19  }
0x9f: {  	s10 =	simm.s32 $0x0;
	s20 =	sshll.u32 s8, $0x1;
	s8 =	sadd.s32 s21, s6  }
0xa0: {  	[timem:s10], [sflag:s22] =	dma.local [hbm:s8], s20  }
0xa1: {  	_ =	swait.ge [sflag:s22], s20  }
0xa2: {  	s7 =	ssub.s32 $0x0, s20;
	[sflag:s22] =	ssyncset.done $0x0  }
0xa3: {  	[sflag:s22] =	ssyncadd.s32 s7;
	_ =	sdelay $0x1  }
0xa4: {  	s23 =	simm.s32 $0x1B8B  }
0xa5: {  	_ =	swait.ge [sflag:s23], $0x1  }
0xa6: {  	[sflag:s23] =	ssyncset.done $0x0  }
0xa7: {  	s25 =	simm.s32 $0x1B8E;
	s24 =	sld [smem:$0x3FFE];
	[sflag:s23] =	ssyncadd.s32 $0xFFFFFFFF  }
0xa8: {  	s26 =	simm.s32 $execute0_lowered;
	[smem:$0x3FD2] =	sst s25  }
0xa9: {  	s8 =	sshll.u32 s26, $0x1;
	_ =	strace $0x80000046;
	[dreg:$0x1] =	wrdreg $0xFFFFFFFF  }
0xaa: {  	s28 =	simm.s32 $_size_execute0_lowered;
	s6 =	sadd.s32 s6, s8;
	[dreg:$0x0] =	wrdreg $0x0  }
0xab: {  	s8 =	sshll.u32 s28, $0x1;
	[dreg:$0x2] =	wrdreg s6  }
0xac: {  	[dreg:$0x3] =	wrdreg s8  }
0xad: {  	[dreg:$0x4] =	wrdreg $0xC0  }
0xae: {  	_ =	task [dreg:s10], $0x5FFFF  }
0xaf: {  	[dreg:$0x1] =	wrdreg $0xFFFFFFFF  }
0xb0: {  	[dreg:$0x0] =	wrdreg $0x60  }
0xb1: {  	[dreg:$0x2] =	wrdreg s2  }
0xb2: {  	[dreg:$0x3] =	wrdreg s18  }
0xb3: {  	[dreg:$0x4] =	wrdreg s4  }
0xb4: {  	[dreg:$0x5] =	wrdreg s5  }
0xb5: {  	[dreg:$0x6] =	wrdreg s24  }
0xb6: {  	[dreg:$0x7] =	wrdreg $0x9  }
0xb7: {  	_ =	task.clear_ibuf [dreg:s10], $0x8FFFF;
	_ =	strace $0x90000046  }
0xb8: {  	s29 =	simm.s32 $0x9;
	_ =	strace $0x80000048  }
0xb9: {  	_ =	swait.ge [sflag:s29], $0x1  }
0xba: {  	[sflag:s29] =	ssyncadd.s32 $0xFFFFFFFF  }
0xbb: {  	_ =	strace $0x90000048  }
0xbc: {  	_ =	sfence  }
0xbd: {  	s30 =	sld [smem:$0x0];
	_ =	sdelay $0x2  }
0xbe: {  	s31 =	sshll.u32 s1, $0xD;
	s1 =	sshrl.u32 s1, $0x2  }
0xbf: {  	s3 =	sand.u32 $0x4000, s31;
	s1 =	sadd.s32 s1, s30  }
0xc0: {  	s0 =	sor.u32 s3, s0;
	s1 =	sshll.u32 s1, $0x11  }
0xc1: {  	s0 =	sor.u32 s1, s0  }
0xc2: {  	s0 =	sadd.s32 $0x8F2B, s0  }
0xc3: {  	[sflag:s0] =	ssyncadd.remote.s32 $0x1  }
0xc4: {  	_ =	sfence.sel $0xFFFF  }
0xc5: {  	[dreg:$0x0] =	wrdreg $0xFFFFFFFF;
	(pc) =	sbr.abs _section_cstart, $3  }
0xc6: {  	[dreg:$0x1] =	wrdreg $0xFFFFFFFF  }
0xc7: {  	_ =	task.clear_ibuf [dreg:s10], $0x2FFFF;
	_ =	strace $0x9FFFFFFF  }
0xc8: {  	(tm) =	ssettm $0x7FFFFFFF  }
0xc9: {  	_ =	shalt  }
tec
execute0_lowered:
.L_overlay_start_1:
0x0: {  	(tag) =	ssettag $0x1  }
0x1: {  	s0 =	rddreg [dreg:$0x0]  }
0x2: {  	s4 =	rddreg [dreg:$0x1]  }
0x3: {  	s6 =	rddreg [dreg:$0x2]  }
0x4: {  	s5 =	rddreg [dreg:$0x3];
	s2 =	srdreg.scid  }
0x5: {  	s1 =	stileid.u32;
	s7 =	rddreg [dreg:$0x4]  }
0x6: {  	s11 =	simm.s32 $0x4F00;
	s8 =	sand.u32 $0x1, s2;
	s3 =	sshll.u32 s1, $0x1  }
0x7: {  	s12 =	simm.s32 $0x0;
	s9 =	sor.u32 s8, s3;
	s3 =	simm.s32 $0x0  }
0x8: {  	s8 =	ssub.s32 $0x2, s8;
	s9 =	smul.u32 $0x4E2, s9;
	[smem:$0x7FF] =	sst s3  }
0x9: {  	s2 =	rddreg [dreg:$0x5];
	s10 =	sshrl.u32 s8, $0x1;
	_ =	strace $0x80000047  }
0xa: {  	s8 =	ssub.s32 s8, s10;
	s10 =	simm.s32 $0x2780;
	s7 =	sadd.s32 s9, s7  }
0xb: {  	s4 =	sadd.s32 s4, s9;
	s5 =	sadd.s32 s5, s9;
	s6 =	sadd.s32 s6, s9  }
0xc: {  	s8 =	smax.u32 s8, $0x1;
	s9 =	simm.s32 $0x1;
	s7 =	sadd.s32 $0x1400, s7  }
.LBB2_1:
0xd: {  	[tilespmem:s3], [sflag:$0x1] =	stream.linear.gather [hbm4b:s0+s3], $0x2780, $0x38;
	[tilespmem:$0x7680] =	vst v63  }
0xe: {  	_ =	swait.ge [sflag:s9], $0x2780  }
0xf: {  	[sflag:s9] =	ssyncset.done $0x0  }
0x10: {  	[sflag:s9] =	ssyncadd.s32 $0xFFFFD880  }
0x11: {  	[tilespmem:s10], [sflag:$0x1] =	stream.linear.gather [hbm4b:s4+s3], $0x2710, $0x38;
	[tilespmem:$0x7680] =	vst v63  }
0x12: {  	_ =	swait.ge [sflag:s9], $0x2710  }
0x13: {  	[sflag:s9] =	ssyncset.done $0x0  }
0x14: {  	s13 =	simm.s32 $0x27C0;
	[sflag:s9] =	ssyncadd.s32 $0xFFFFD8F0  }
0x15: {  	v0 =	vld [tilespmem:s13+$0x30]  }
0x16: {  	v1 =	vld [tilespmem:s13+$0xFFFFFFD0]  }
0x17: {  	v2 =	vld [tilespmem:s13+$0xFFFFFFE0]  }
0x18: {  	v3 =	vld [tilespmem:s13+$0xFFFFFFF0]  }
0x19: {  	v4 =	vld [tilespmem:s13+$0x0]  }
0x1a: {  	v6 =	vld [tilespmem:s13+$0x10]  }
0x1b: {  	v7 =	vld [tilespmem:s13+$0x20]  }
0x1c: {  	v8 =	vld [tilespmem:s13+$0xFFFFFFC0]  }
0x1d: {  	v9 =	vld.idx.msk [tilespmem:v0+s3+$0x0], $0xffff  }
0x1e: {  	v10 =	vld.idx.msk [tilespmem:v1+s3+$0x0], $0xffff  }
0x1f: {  	v5 =	vld.idx.msk [tilespmem:v2+s3+$0x0], $0xffff  }
0x20: {  	v3 =	vld.idx.msk [tilespmem:v3+s3+$0x0], $0xffff  }
0x21: {  	v0 =	vld.idx.msk [tilespmem:v4+s3+$0x0], $0xffff  }
0x22: {  	s13 =	simm.s32 $0x4F40;
	v1 =	vld.idx.msk [tilespmem:v6+s3+$0x0], $0xffff  }
0x23: {  	v2 =	vld.idx.msk [tilespmem:v7+s3+$0x0], $0xffff;
	[tilespmem:s13+$0x30] =	vst v9  }
0x24: {  	s14 =	simm.s32 $0x0;
	s15 =	simm.s32 $0x2840;
	v4 =	vld.idx.msk [tilespmem:v8+s3+$0x0], $0xffff;
	[tilespmem:s13+$0xFFFFFFD0] =	vst v10  }
.LBB2_2:
0x25: {  	v6 =	vld [tilespmem:s15+$0x30];
	s14 =	sadd.s32 $0x8, s14;
	[tilespmem:s13+$0xFFFFFFE0] =	vst v5  }
0x26: {  	v5 =	vld [tilespmem:s15+$0xFFFFFFD0];
	p0 =	slt.u32 s14, $0x268;
	[tilespmem:s13+$0xFFFFFFF0] =	vst v3  }
0x27: {  	v3 =	vld [tilespmem:s15+$0xFFFFFFE0];
	[tilespmem:s13+$0x0] =	vst v0  }
0x28: {  	v0 =	vld [tilespmem:s15+$0xFFFFFFF0];
	[tilespmem:s13+$0x10] =	vst v1  }
0x29: {  	v1 =	vld [tilespmem:s15+$0x0];
	[tilespmem:s13+$0x20] =	vst v2  }
0x2a: {  	v2 =	vld [tilespmem:s15+$0x10];
	[tilespmem:s13+$0xFFFFFFC0] =	vst v4  }
0x2b: {  	v4 =	vld [tilespmem:s15+$0x20]  }
0x2c: {  	v7 =	vld [tilespmem:s15+$0xFFFFFFC0]  }
0x2d: {  	v6 =	vld.idx.msk [tilespmem:v6+s3+$0x0], $0xffff  }
0x2e: {  	v8 =	vld.idx.msk [tilespmem:v5+s3+$0x0], $0xffff  }
0x2f: {  	v5 =	vld.idx.msk [tilespmem:v3+s3+$0x0], $0xffff  }
.Ltmp0:
0x30: {  	v3 =	vld.idx.msk [tilespmem:v0+s3+$0x0], $0xffff;
	(pc) =	sbr.rel @p0 .LBB2_2-.Ltmp0, $4  }
0x31: {  	v0 =	vld.idx.msk [tilespmem:v1+s3+$0x0], $0xffff  }
0x32: {  	s13 =	sadd.s32 $0x80, s13;
	v1 =	vld.idx.msk [tilespmem:v2+s3+$0x0], $0xffff  }
0x33: {  	v2 =	vld.idx.msk [tilespmem:v4+s3+$0x0], $0xffff;
	[tilespmem:s13+$0x30] =	vst v6  }
0x34: {  	s15 =	sadd.s32 $0x80, s15;
	v4 =	vld.idx.msk [tilespmem:v7+s3+$0x0], $0xffff;
	[tilespmem:s13+$0xFFFFFFD0] =	vst v8  }
0x35: {  	[tilespmem:s13+$0xFFFFFFE0] =	vst v5  }
0x36: {  	[tilespmem:s13+$0xFFFFFFF0] =	vst v3  }
0x37: {  	[tilespmem:s13+$0x0] =	vst v0  }
0x38: {  	[tilespmem:s13+$0x10] =	vst v1  }
0x39: {  	[tilespmem:s13+$0x20] =	vst v2  }
0x3a: {  	[tilespmem:s13+$0xFFFFFFC0] =	vst v4  }
0x3b: {  	v0 =	vld [tilespmem:$0x4E80];
	_ =	sdelay $0x7  }
0x3c: {  	v0 =	vld.idx.msk [tilespmem:v0+s3+$0x0], $0xffff;
	_ =	sdelay $0x4  }
0x3d: {  	[tilespmem:$0x7600] =	vst v0  }
0x3e: {  	[hbm4b:s5+s3] =	stream.linear.scatter [tilespmem:s11], [sflag:$0x1], $0x2710, $0x38;
	[tilespmem:$0x7680] =	vst v63  }
0x3f: {  	_ =	swait.ge [sflag:s9], $0x2710  }
0x40: {  	[sflag:s9] =	ssyncset.done $0x0  }
0x41: {  	[sflag:s9] =	ssyncadd.s32 $0xFFFFD8F0  }
0x42: {  	[tilespmem:s10], [sflag:$0x1] =	stream.linear.gather [hbm4b:s6+s3], $0x2710, $0x38;
	[tilespmem:$0x7680] =	vst v63  }
0x43: {  	_ =	swait.ge [sflag:s9], $0x2710  }
0x44: {  	[sflag:s9] =	ssyncset.done $0x0  }
0x45: {  	s31 =	simm.s32 $0x27C0;
	[sflag:s9] =	ssyncadd.s32 $0xFFFFD8F0  }
0x46: {  	v0 =	vld [tilespmem:s31+$0x30]  }
0x47: {  	v1 =	vld [tilespmem:s31+$0xFFFFFFD0]  }
0x48: {  	v2 =	vld [tilespmem:s31+$0xFFFFFFE0]  }
0x49: {  	v3 =	vld [tilespmem:s31+$0xFFFFFFF0]  }
0x4a: {  	v4 =	vld [tilespmem:s31+$0x0]  }
0x4b: {  	v6 =	vld [tilespmem:s31+$0x10]  }
0x4c: {  	v7 =	vld [tilespmem:s31+$0x20]  }
0x4d: {  	v8 =	vld [tilespmem:s31+$0xFFFFFFC0]  }
0x4e: {  	v9 =	vld.idx.msk [tilespmem:v0+s3+$0x0], $0xffff  }
0x4f: {  	v10 =	vld.idx.msk [tilespmem:v1+s3+$0x0], $0xffff  }
0x50: {  	v5 =	vld.idx.msk [tilespmem:v2+s3+$0x0], $0xffff  }
0x51: {  	v3 =	vld.idx.msk [tilespmem:v3+s3+$0x0], $0xffff  }
0x52: {  	v0 =	vld.idx.msk [tilespmem:v4+s3+$0x0], $0xffff  }
0x53: {  	s13 =	simm.s32 $0x4F40;
	v1 =	vld.idx.msk [tilespmem:v6+s3+$0x0], $0xffff  }
0x54: {  	v2 =	vld.idx.msk [tilespmem:v7+s3+$0x0], $0xffff;
	[tilespmem:s13+$0x30] =	vst v9  }
0x55: {  	s14 =	simm.s32 $0x0;
	s15 =	simm.s32 $0x2840;
	v4 =	vld.idx.msk [tilespmem:v8+s3+$0x0], $0xffff;
	[tilespmem:s13+$0xFFFFFFD0] =	vst v10  }
.LBB2_4:
0x56: {  	v6 =	vld [tilespmem:s15+$0x30];
	s14 =	sadd.s32 $0x8, s14;
	[tilespmem:s13+$0xFFFFFFE0] =	vst v5  }
0x57: {  	v5 =	vld [tilespmem:s15+$0xFFFFFFD0];
	p0 =	slt.u32 s14, $0x268;
	[tilespmem:s13+$0xFFFFFFF0] =	vst v3  }
0x58: {  	v3 =	vld [tilespmem:s15+$0xFFFFFFE0];
	[tilespmem:s13+$0x0] =	vst v0  }
0x59: {  	v0 =	vld [tilespmem:s15+$0xFFFFFFF0];
	[tilespmem:s13+$0x10] =	vst v1  }
0x5a: {  	v1 =	vld [tilespmem:s15+$0x0];
	[tilespmem:s13+$0x20] =	vst v2  }
0x5b: {  	v2 =	vld [tilespmem:s15+$0x10];
	[tilespmem:s13+$0xFFFFFFC0] =	vst v4  }
0x5c: {  	v4 =	vld [tilespmem:s15+$0x20]  }
0x5d: {  	v7 =	vld [tilespmem:s15+$0xFFFFFFC0]  }
0x5e: {  	v6 =	vld.idx.msk [tilespmem:v6+s3+$0x0], $0xffff  }
0x5f: {  	v8 =	vld.idx.msk [tilespmem:v5+s3+$0x0], $0xffff  }
0x60: {  	v5 =	vld.idx.msk [tilespmem:v3+s3+$0x0], $0xffff  }
.Ltmp1:
0x61: {  	v3 =	vld.idx.msk [tilespmem:v0+s3+$0x0], $0xffff;
	(pc) =	sbr.rel @p0 .LBB2_4-.Ltmp1, $4  }
0x62: {  	v0 =	vld.idx.msk [tilespmem:v1+s3+$0x0], $0xffff  }
0x63: {  	s13 =	sadd.s32 $0x80, s13;
	v1 =	vld.idx.msk [tilespmem:v2+s3+$0x0], $0xffff  }
0x64: {  	v2 =	vld.idx.msk [tilespmem:v4+s3+$0x0], $0xffff;
	[tilespmem:s13+$0x30] =	vst v6  }
0x65: {  	s15 =	sadd.s32 $0x80, s15;
	v4 =	vld.idx.msk [tilespmem:v7+s3+$0x0], $0xffff;
	[tilespmem:s13+$0xFFFFFFD0] =	vst v8  }
0x66: {  	[tilespmem:s13+$0xFFFFFFE0] =	vst v5  }
0x67: {  	[tilespmem:s13+$0xFFFFFFF0] =	vst v3  }
0x68: {  	[tilespmem:s13+$0x0] =	vst v0  }
0x69: {  	[tilespmem:s13+$0x10] =	vst v1  }
0x6a: {  	[tilespmem:s13+$0x20] =	vst v2  }
0x6b: {  	[tilespmem:s13+$0xFFFFFFC0] =	vst v4  }
0x6c: {  	v0 =	vld [tilespmem:$0x4E80];
	_ =	sdelay $0x7  }
0x6d: {  	v0 =	vld.idx.msk [tilespmem:v0+s3+$0x0], $0xffff;
	_ =	sdelay $0x2  }
0x6e: {  	s12 =	sadd.s32 $0x1, s12  }
0x6f: {  	p0 =	sne.s32 s12, s8  }
.Ltmp2:
0x70: {  	[tilespmem:$0x7600] =	vst v0;
	(pc) =	sbr.rel @p0 .LBB2_1-.Ltmp2, $4  }
0x71: {  	[hbm4b:s7+s3] =	stream.linear.scatter [tilespmem:s11], [sflag:$0x1], $0x2710, $0x38;
	[tilespmem:$0x7680] =	vst v63  }
0x72: {  	_ =	swait.ge [sflag:s9], $0x2710  }
0x73: {  	[sflag:s9] =	ssyncset.done $0x0  }
0x74: {  	[sflag:s9] =	ssyncadd.s32 $0xFFFFD8F0  }
0x75: {  	_ =	sfence.sel $0x180000  }
0x76: {  	[bflag:$0x0] =	sbarrier.arrive $0xFFFF  }
0x77: {  	p0 =	sne.s32 s1, $0x0;
	_ =	strace $0x90000047  }
0x78: {  	s0 =	sadd.s32 @!p0 $0x100000, s2;
	[bflag:$0x2] =	sbarrier.arrive $0xFFFF  }
0x79: {  	[sflag:s0] =	ssyncadd.tile.s32 @!p0 $0x1;
	_ =	shalt  }
.Lfunc_end2:
_tile_overlayer_lowered:
.L_overlay_start_2:
0x7a: {  	(tag) =	ssettag $0x2  }
0x7b: {  	s0 =	rddreg [dreg:$0x0];
	s2 =	stileid.u32  }
0x7c: {  	s1 =	rddreg [dreg:$0x1];
	p0 =	sne.s32 s2, $0x0  }
0x7d: {  	s3 =	rddreg [dreg:$0x2];
	[bflag:$0x3] =	sbarrier.arrive $0xFFFF;
	s2 =	simm.s32 @!p0 $0x1C01  }
0x7e: {  	[timem:s3], [sflag:s2] =	dma.local @!p0 [hbm:s0], s1  }
0x7f: {  	s0 =	simm.s32 @!p0 $0x1  }
0x80: {  	_ =	swait.ge @!p0 [sflag:s0], s1  }
0x81: {  	s1 =	ssub.s32 @!p0 $0x0, s1;
	[sflag:s0] =	ssyncset.done @!p0 $0x0  }
0x82: {  	[sflag:s0] =	ssyncadd.s32 @!p0 s1  }
0x83: {  	[bflag:$0x3] =	sbarrier.arrive $0xFFFF  }
0x84: {  	_ =	shalt  }

</sc_bundles>
